<compile_context>
chip_gen: v7x
topology: tpu7x:2x2x1
jax: 0.10.2.dev20260603
libtpu: 0.0.44.dev20260713+nightly
codegen_flags: <defaults>
</compile_context>

<pallas_src>
import functools

import jax
import jax.numpy as jnp
from jax import lax
from jax.experimental import pallas as pl
from jax.experimental.pallas import tpu as pltpu
from jax.experimental.pallas import tpu_sc as plsc

_GRID = 32
_N = _GRID * _GRID
_H = 16
_SROW = 2 * _GRID - 1
_CPAD = 64
_AROWS = 60
_SBLK = _AROWS * _GRID


def _unfold_body(c_hbm, out_hbm, c_v, s_v, sem):
    h = lax.axis_index("s")
    cls2 = lax.axis_index("c")
    pltpu.sync_copy(c_hbm.at[pl.ds(h * _CPAD * _CPAD, _CPAD * _CPAD)], c_v)
    lanes = lax.iota(jnp.int32, 16)

    for q in range(2):
        r = 2 * cls2 + q
        a_lo = 3 - r

        def per_shift(iw, carry, q=q, r=r, a_lo=a_lo):
            b = 31 - iw
            base = (q * _GRID + iw) * _SBLK

            def build(rr, idx):
                v0 = plsc.load_gather(c_v, [idx])
                v1 = plsc.load_gather(c_v, [idx + 16])
                off = base + rr * _GRID
                s_v[pl.ds(off, 16)] = v0
                s_v[pl.ds(off + 16, 16)] = v1
                return idx + _CPAD

            lax.fori_loop(0, _AROWS, build, a_lo * _CPAD + b + lanes)

            for k in range(8):
                pltpu.make_async_copy(
                    s_v.at[pl.ds(pl.multiple_of(base + (28 - 4 * k) * _GRID,
                                                128), _N)],
                    out_hbm.at[h, (r + 4 * k) * _GRID + iw],
                    sem,
                ).start()
            return carry

        lax.fori_loop(0, _GRID, per_shift, 0)

    def drain(t, carry):
        pltpu.make_async_copy(
            s_v.at[pl.ds(0, _N)],
            out_hbm.at[0, 0],
            sem,
        ).wait()
        return carry

    lax.fori_loop(0, _GRID * 16, drain, 0)


_unfold = functools.partial(
    pl.kernel,
    mesh=plsc.VectorSubcoreMesh(core_axis_name="c", subcore_axis_name="s"),
    out_type=jax.ShapeDtypeStruct((_H, _N, _N), jnp.float32),
    scratch_types=[
        pltpu.VMEM((_CPAD * _CPAD,), jnp.float32),
        pltpu.VMEM((2 * _GRID * _SBLK,), jnp.float32),
        pltpu.SemaphoreType.DMA,
    ],
    compiler_params=pltpu.CompilerParams(needs_layout_passes=False),
)(_unfold_body)


@jax.jit
def kernel(relative_position_bias_table, relative_position_index):
    del relative_position_index
    c = relative_position_bias_table.reshape(_SROW, _SROW, _H)[::-1, ::-1, :]
    c = jnp.transpose(c, (2, 0, 1))
    c = jnp.pad(c, ((0, 0), (0, 1), (0, 1)))
    return _unfold(c.reshape(_H * _CPAD * _CPAD))

# --- scband reference (transcript-rebuilt; emitter-appended) ---
"""Pipeline reference for scband-global-relative-position-bias-36850819400540 (READ-ONLY COPY).

The authoritative reference and input builder live on the scoring server;
editing this copy changes nothing except your own understanding.
"""

import jax, jax.numpy as jnp
import numpy as np

GRID_SIZE = 32
NUM_HEADS = 16


def _relative_position_index(grid_size):
    coords_h = np.arange(grid_size)
    coords_w = np.arange(grid_size)
    coords = np.stack(np.meshgrid(coords_h, coords_w, indexing='ij'))  # [2, G, G]
    coords_flatten = coords.reshape(2, -1)  # [2, G*G]
    relative_coords = coords_flatten[:, :, None] - coords_flatten[:, None, :]  # [2, N, N]
    relative_coords = relative_coords.transpose(1, 2, 0).copy()  # [N, N, 2]
    relative_coords[:, :, 0] += grid_size - 1
    relative_coords[:, :, 1] += grid_size - 1
    relative_coords[:, :, 0] *= 2 * grid_size - 1
    relative_position_index = relative_coords.sum(-1).reshape(-1)  # [N*N]
    return relative_position_index.astype(np.int32)


def setup_inputs(seed: int = 0) -> dict:
    key = jax.random.key(seed)
    num_table_entries = (2 * GRID_SIZE - 1) * (2 * GRID_SIZE - 1)
    # trunc_normal(std=0.02) init of the bias table
    table = jax.random.truncated_normal(
        key, -2.0, 2.0, (num_table_entries, NUM_HEADS), dtype=jnp.float32
    ) * 0.02
    rel_idx = jnp.asarray(_relative_position_index(GRID_SIZE))
    return {"relative_position_bias_table": table, "relative_position_index": rel_idx}


def reference(relative_position_bias_table, relative_position_index):
    n = GRID_SIZE * GRID_SIZE
    bias = jnp.take(relative_position_bias_table, relative_position_index, axis=0)  # [N*N, H]
    bias = bias.reshape(n, n, NUM_HEADS)
    bias = jnp.transpose(bias, (2, 0, 1))  # [H, N, N]
    return bias

if __name__ == "__main__":
    import jax
    _d = setup_inputs()
    print(jax.jit(kernel)(*tuple(_d.values())))

</pallas_src>

<mosaic_0001>
#map = affine_map<(d0, d1) -> (0)>
#map1 = affine_map<(d0, d1) -> (0, 0, 0)>
module attributes {stable_mosaic.version = 14 : i64} {
  func.func @_unfold_body(%arg0: i32, %arg1: i32, %arg2: memref<65536xf32, #tpu.memory_space<hbm>>, %arg3: memref<16x1024x1024xf32, #tpu.memory_space<hbm>>, %arg4: memref<4096xf32, #tpu.memory_space<vmem>>, %arg5: memref<122880xf32, #tpu.memory_space<vmem>>, %arg6: memref<!tpu.dma_semaphore, #tpu.memory_space<semaphore_mem>>) attributes {dimension_semantics = [#tpu.dimension_semantics<core_parallel>, #tpu.dimension_semantics<subcore_parallel>], iteration_bounds = array<i64: 2, 16>, scalar_prefetch = 0 : i64, scratch_operands = 3 : i64, tpu.core_type = #tpu.core_type<sc_vector_subcore>, window_params = [{transform_indices = #map}, {transform_indices = #map1}]} {
    %mul3A = arith.constant 64 : i32
    %mul3A_0 = arith.muli %arg1, %mul3A : i32
    %mul3A_1 = arith.constant 64 : i32
    %mul3A_2 = arith.muli %mul3A_0, %mul3A_1 : i32
    "tpu.region"() ({
      %run_scoped3A = tpu.sem_alloc : memref<!tpu.dma_semaphore, #tpu.memory_space<semaphore_mem>>
      %dma_start3A = tpu.memref_slice %arg2[%mul3A_2] : memref<65536xf32, #tpu.memory_space<hbm>> -> memref<4096xf32, #tpu.memory_space<hbm>>
      %dma_start3A_30 = tpu.memref_slice %arg2[%mul3A_2] : memref<65536xf32, #tpu.memory_space<hbm>> -> memref<4096xf32, #tpu.memory_space<hbm>>
      tpu.enqueue_dma source(%dma_start3A_30 : memref<4096xf32, #tpu.memory_space<hbm>>) target(%arg4 : memref<4096xf32, #tpu.memory_space<vmem>>) target_semaphore(%run_scoped3A : memref<!tpu.dma_semaphore, #tpu.memory_space<semaphore_mem>>)
      %dma_wait3A = tpu.memref_slice %arg2[%mul3A_2] : memref<65536xf32, #tpu.memory_space<hbm>> -> memref<4096xf32, #tpu.memory_space<hbm>>
      %dma_wait3A_31 = tpu.memref_slice %arg2[%mul3A_2] : memref<65536xf32, #tpu.memory_space<hbm>> -> memref<4096xf32, #tpu.memory_space<hbm>>
      tpu.wait_dma2 semaphore(%run_scoped3A : memref<!tpu.dma_semaphore, #tpu.memory_space<semaphore_mem>>) src(%dma_wait3A_31 : memref<4096xf32, #tpu.memory_space<hbm>>) dst(%arg4 : memref<4096xf32, #tpu.memory_space<vmem>>)
      tpu.yield
    }) : () -> ()
    %iota3A = tpu.iota {dimensions = array<i32: 0>} : vector<16xi32>
    %mul3A_3 = arith.constant 2 : i32
    %mul3A_4 = arith.muli %mul3A_3, %arg0 : i32
    %add3A = arith.constant 0 : i32
    %add3A_5 = arith.addi %mul3A_4, %add3A : i32
    %sub3A = arith.constant 3 : i32
    %sub3A_6 = arith.subi %sub3A, %add3A_5 : i32
    %scan3A = arith.constant 0 : i32
    %scan3A_7 = arith.constant 0 : i32
    %scan3A_8 = arith.constant 32 : i32
    %scan3A_9 = arith.addi %scan3A_7, %scan3A_8 : i32
    %scan3A_10 = arith.constant 1 : i32
    scf.for %scan3A_30 = %scan3A_7 to %scan3A_9 step %scan3A_10  : i32 {
      %sub3A_31 = arith.constant 31 : i32
      %sub3A_32 = arith.subi %sub3A_31, %scan3A_30 : i32
      %add3A_33 = arith.constant 0 : i32
      %add3A_34 = arith.addi %add3A_33, %scan3A_30 : i32
      %mul3A_35 = arith.constant 1920 : i32
      %mul3A_36 = arith.muli %add3A_34, %mul3A_35 : i32
      %mul3A_37 = arith.constant 64 : i32
      %mul3A_38 = arith.muli %sub3A_6, %mul3A_37 : i32
      %add3A_39 = arith.addi %mul3A_38, %sub3A_32 : i32
      %add3A_40 = vector.broadcast %add3A_39 : i32 to vector<16xi32>
      %add3A_41 = arith.addi %add3A_40, %iota3A : vector<16xi32>
      %scan3A_42 = arith.constant 0 : i32
      %scan3A_43 = arith.constant 60 : i32
      %scan3A_44 = arith.addi %scan3A_42, %scan3A_43 : i32
      %scan3A_45 = arith.constant 1 : i32
      %scan3A_46 = scf.for %scan3A_174 = %scan3A_42 to %scan3A_44 step %scan3A_45 iter_args(%scan3A_175 = %add3A_41) -> (vector<16xi32>)  : i32 {
        %gather3A = tpu.vector_load_idx %arg4[%scan3A_175] : memref<4096xf32, #tpu.memory_space<vmem>>[vector<16xi32>], vector<16xf32>,
        %add3A_176 = arith.constant 16 : i32
        %add3A_177 = vector.broadcast %add3A_176 : i32 to vector<16xi32>
        %add3A_178 = arith.addi %scan3A_175, %add3A_177 : vector<16xi32>
        %gather3A_179 = tpu.vector_load_idx %arg4[%add3A_178] : memref<4096xf32, #tpu.memory_space<vmem>>[vector<16xi32>], vector<16xf32>,
        %mul3A_180 = arith.constant 32 : i32
        %mul3A_181 = arith.muli %scan3A_174, %mul3A_180 : i32
        %add3A_182 = arith.addi %mul3A_36, %mul3A_181 : i32
        %swap3A = arith.index_cast %add3A_182 : i32 to index
        %swap3A_183 = tpu.vector_load %arg5[%swap3A] {strides = array<i32>} : memref<122880xf32, #tpu.memory_space<vmem>>, vector<16xf32>,
        tpu.vector_store %arg5[%swap3A], %gather3A {strides = array<i32>} : memref<122880xf32, #tpu.memory_space<vmem>>, vector<16xf32>,
        %add3A_184 = arith.constant 16 : i32
        %add3A_185 = arith.addi %add3A_182, %add3A_184 : i32
        %swap3A_186 = arith.index_cast %add3A_185 : i32 to index
        %swap3A_187 = tpu.vector_load %arg5[%swap3A_186] {strides = array<i32>} : memref<122880xf32, #tpu.memory_space<vmem>>, vector<16xf32>,
        tpu.vector_store %arg5[%swap3A_186], %gather3A_179 {strides = array<i32>} : memref<122880xf32, #tpu.memory_space<vmem>>, vector<16xf32>,
        %add3A_188 = arith.constant 64 : i32
        %add3A_189 = vector.broadcast %add3A_188 : i32 to vector<16xi32>
        %add3A_190 = arith.addi %scan3A_175, %add3A_189 : vector<16xi32>
        scf.yield %add3A_190 : vector<16xi32>
      }
      %scan3A_47 = arith.constant 60 : i32
      %add3A_48 = arith.constant 896 : i32
      %add3A_49 = arith.addi %mul3A_36, %add3A_48 : i32
      %multiple_of3A = tpu.assume_multiple %add3A_49, 128 : i32
      %add3A_50 = arith.constant 0 : i32
      %add3A_51 = arith.addi %add3A_5, %add3A_50 : i32
      %mul3A_52 = arith.constant 32 : i32
      %mul3A_53 = arith.muli %add3A_51, %mul3A_52 : i32
      %add3A_54 = arith.addi %mul3A_53, %scan3A_30 : i32
      %dma_start3A = tpu.memref_slice %arg5[%multiple_of3A] : memref<122880xf32, #tpu.memory_space<vmem>> -> memref<1024xf32, #tpu.memory_space<vmem>>
      %dma_start3A_55 = arith.constant 0 : i32
      %dma_start3A_56 = tpu.memref_slice %arg3[%arg1, %add3A_54, %dma_start3A_55] : memref<16x1024x1024xf32, #tpu.memory_space<hbm>> -> memref<1x1x1024xf32, #tpu.memory_space<hbm>>
      %dma_start3A_57 = tpu.memref_squeeze %dma_start3A_56 : memref<1x1x1024xf32, #tpu.memory_space<hbm>> -> memref<1024xf32, #tpu.memory_space<hbm>>
      %dma_start3A_58 = arith.constant 0 : i32
      %dma_start3A_59 = tpu.memref_slice %arg3[%arg1, %add3A_54, %dma_start3A_58] : memref<16x1024x1024xf32, #tpu.memory_space<hbm>> -> memref<1x1x1024xf32, #tpu.memory_space<hbm>>
      %dma_start3A_60 = tpu.memref_squeeze %dma_start3A_59 : memref<1x1x1024xf32, #tpu.memory_space<hbm>> -> memref<1024xf32, #tpu.memory_space<hbm>>
      %dma_start3A_61 = tpu.memref_slice %arg5[%multiple_of3A] : memref<122880xf32, #tpu.memory_space<vmem>> -> memref<1024xf32, #tpu.memory_space<vmem>>
      tpu.enqueue_dma source(%dma_start3A_61 : memref<1024xf32, #tpu.memory_space<vmem>>) target(%dma_start3A_60 : memref<1024xf32, #tpu.memory_space<hbm>>) target_semaphore(%arg6 : memref<!tpu.dma_semaphore, #tpu.memory_space<semaphore_mem>>)
      %add3A_62 = arith.constant 768 : i32
      %add3A_63 = arith.addi %mul3A_36, %add3A_62 : i32
      %multiple_of3A_64 = tpu.assume_multiple %add3A_63, 128 : i32
      %add3A_65 = arith.constant 4 : i32
      %add3A_66 = arith.addi %add3A_5, %add3A_65 : i32
      %mul3A_67 = arith.constant 32 : i32
      %mul3A_68 = arith.muli %add3A_66, %mul3A_67 : i32
      %add3A_69 = arith.addi %mul3A_68, %scan3A_30 : i32
      %dma_start3A_70 = tpu.memref_slice %arg5[%multiple_of3A_64] : memref<122880xf32, #tpu.memory_space<vmem>> -> memref<1024xf32, #tpu.memory_space<vmem>>
      %dma_start3A_71 = arith.constant 0 : i32
      %dma_start3A_72 = tpu.memref_slice %arg3[%arg1, %add3A_69, %dma_start3A_71] : memref<16x1024x1024xf32, #tpu.memory_space<hbm>> -> memref<1x1x1024xf32, #tpu.memory_space<hbm>>
      %dma_start3A_73 = tpu.memref_squeeze %dma_start3A_72 : memref<1x1x1024xf32, #tpu.memory_space<hbm>> -> memref<1024xf32, #tpu.memory_space<hbm>>
      %dma_start3A_74 = arith.constant 0 : i32
      %dma_start3A_75 = tpu.memref_slice %arg3[%arg1, %add3A_69, %dma_start3A_74] : memref<16x1024x1024xf32, #tpu.memory_space<hbm>> -> memref<1x1x1024xf32, #tpu.memory_space<hbm>>
      %dma_start3A_76 = tpu.memref_squeeze %dma_start3A_75 : memref<1x1x1024xf32, #tpu.memory_space<hbm>> -> memref<1024xf32, #tpu.memory_space<hbm>>
      %dma_start3A_77 = tpu.memref_slice %arg5[%multiple_of3A_64] : memref<122880xf32, #tpu.memory_space<vmem>> -> memref<1024xf32, #tpu.memory_space<vmem>>
      tpu.enqueue_dma source(%dma_start3A_77 : memref<1024xf32, #tpu.memory_space<vmem>>) target(%dma_start3A_76 : memref<1024xf32, #tpu.memory_space<hbm>>) target_semaphore(%arg6 : memref<!tpu.dma_semaphore, #tpu.memory_space<semaphore_mem>>)
      %add3A_78 = arith.constant 640 : i32
      %add3A_79 = arith.addi %mul3A_36, %add3A_78 : i32
      %multiple_of3A_80 = tpu.assume_multiple %add3A_79, 128 : i32
      %add3A_81 = arith.constant 8 : i32
      %add3A_82 = arith.addi %add3A_5, %add3A_81 : i32
      %mul3A_83 = arith.constant 32 : i32
      %mul3A_84 = arith.muli %add3A_82, %mul3A_83 : i32
      %add3A_85 = arith.addi %mul3A_84, %scan3A_30 : i32
      %dma_start3A_86 = tpu.memref_slice %arg5[%multiple_of3A_80] : memref<122880xf32, #tpu.memory_space<vmem>> -> memref<1024xf32, #tpu.memory_space<vmem>>
      %dma_start3A_87 = arith.constant 0 : i32
      %dma_start3A_88 = tpu.memref_slice %arg3[%arg1, %add3A_85, %dma_start3A_87] : memref<16x1024x1024xf32, #tpu.memory_space<hbm>> -> memref<1x1x1024xf32, #tpu.memory_space<hbm>>
      %dma_start3A_89 = tpu.memref_squeeze %dma_start3A_88 : memref<1x1x1024xf32, #tpu.memory_space<hbm>> -> memref<1024xf32, #tpu.memory_space<hbm>>
      %dma_start3A_90 = arith.constant 0 : i32
      %dma_start3A_91 = tpu.memref_slice %arg3[%arg1, %add3A_85, %dma_start3A_90] : memref<16x1024x1024xf32, #tpu.memory_space<hbm>> -> memref<1x1x1024xf32, #tpu.memory_space<hbm>>
      %dma_start3A_92 = tpu.memref_squeeze %dma_start3A_91 : memref<1x1x1024xf32, #tpu.memory_space<hbm>> -> memref<1024xf32, #tpu.memory_space<hbm>>
      %dma_start3A_93 = tpu.memref_slice %arg5[%multiple_of3A_80] : memref<122880xf32, #tpu.memory_space<vmem>> -> memref<1024xf32, #tpu.memory_space<vmem>>
      tpu.enqueue_dma source(%dma_start3A_93 : memref<1024xf32, #tpu.memory_space<vmem>>) target(%dma_start3A_92 : memref<1024xf32, #tpu.memory_space<hbm>>) target_semaphore(%arg6 : memref<!tpu.dma_semaphore, #tpu.memory_space<semaphore_mem>>)
      %add3A_94 = arith.constant 512 : i32
      %add3A_95 = arith.addi %mul3A_36, %add3A_94 : i32
      %multiple_of3A_96 = tpu.assume_multiple %add3A_95, 128 : i32
      %add3A_97 = arith.constant 12 : i32
      %add3A_98 = arith.addi %add3A_5, %add3A_97 : i32
      %mul3A_99 = arith.constant 32 : i32
      %mul3A_100 = arith.muli %add3A_98, %mul3A_99 : i32
      %add3A_101 = arith.addi %mul3A_100, %scan3A_30 : i32
      %dma_start3A_102 = tpu.memref_slice %arg5[%multiple_of3A_96] : memref<122880xf32, #tpu.memory_space<vmem>> -> memref<1024xf32, #tpu.memory_space<vmem>>
      %dma_start3A_103 = arith.constant 0 : i32
      %dma_start3A_104 = tpu.memref_slice %arg3[%arg1, %add3A_101, %dma_start3A_103] : memref<16x1024x1024xf32, #tpu.memory_space<hbm>> -> memref<1x1x1024xf32, #tpu.memory_space<hbm>>
      %dma_start3A_105 = tpu.memref_squeeze %dma_start3A_104 : memref<1x1x1024xf32, #tpu.memory_space<hbm>> -> memref<1024xf32, #tpu.memory_space<hbm>>
      %dma_start3A_106 = arith.constant 0 : i32
      %dma_start3A_107 = tpu.memref_slice %arg3[%arg1, %add3A_101, %dma_start3A_106] : memref<16x1024x1024xf32, #tpu.memory_space<hbm>> -> memref<1x1x1024xf32, #tpu.memory_space<hbm>>
      %dma_start3A_108 = tpu.memref_squeeze %dma_start3A_107 : memref<1x1x1024xf32, #tpu.memory_space<hbm>> -> memref<1024xf32, #tpu.memory_space<hbm>>
      %dma_start3A_109 = tpu.memref_slice %arg5[%multiple_of3A_96] : memref<122880xf32, #tpu.memory_space<vmem>> -> memref<1024xf32, #tpu.memory_space<vmem>>
      tpu.enqueue_dma source(%dma_start3A_109 : memref<1024xf32, #tpu.memory_space<vmem>>) target(%dma_start3A_108 : memref<1024xf32, #tpu.memory_space<hbm>>) target_semaphore(%arg6 : memref<!tpu.dma_semaphore, #tpu.memory_space<semaphore_mem>>)
      %add3A_110 = arith.constant 384 : i32
      %add3A_111 = arith.addi %mul3A_36, %add3A_110 : i32
      %multiple_of3A_112 = tpu.assume_multiple %add3A_111, 128 : i32
      %add3A_113 = arith.constant 16 : i32
      %add3A_114 = arith.addi %add3A_5, %add3A_113 : i32
      %mul3A_115 = arith.constant 32 : i32
      %mul3A_116 = arith.muli %add3A_114, %mul3A_115 : i32
      %add3A_117 = arith.addi %mul3A_116, %scan3A_30 : i32
      %dma_start3A_118 = tpu.memref_slice %arg5[%multiple_of3A_112] : memref<122880xf32, #tpu.memory_space<vmem>> -> memref<1024xf32, #tpu.memory_space<vmem>>
      %dma_start3A_119 = arith.constant 0 : i32
      %dma_start3A_120 = tpu.memref_slice %arg3[%arg1, %add3A_117, %dma_start3A_119] : memref<16x1024x1024xf32, #tpu.memory_space<hbm>> -> memref<1x1x1024xf32, #tpu.memory_space<hbm>>
      %dma_start3A_121 = tpu.memref_squeeze %dma_start3A_120 : memref<1x1x1024xf32, #tpu.memory_space<hbm>> -> memref<1024xf32, #tpu.memory_space<hbm>>
      %dma_start3A_122 = arith.constant 0 : i32
      %dma_start3A_123 = tpu.memref_slice %arg3[%arg1, %add3A_117, %dma_start3A_122] : memref<16x1024x1024xf32, #tpu.memory_space<hbm>> -> memref<1x1x1024xf32, #tpu.memory_space<hbm>>
      %dma_start3A_124 = tpu.memref_squeeze %dma_start3A_123 : memref<1x1x1024xf32, #tpu.memory_space<hbm>> -> memref<1024xf32, #tpu.memory_space<hbm>>
      %dma_start3A_125 = tpu.memref_slice %arg5[%multiple_of3A_112] : memref<122880xf32, #tpu.memory_space<vmem>> -> memref<1024xf32, #tpu.memory_space<vmem>>
      tpu.enqueue_dma source(%dma_start3A_125 : memref<1024xf32, #tpu.memory_space<vmem>>) target(%dma_start3A_124 : memref<1024xf32, #tpu.memory_space<hbm>>) target_semaphore(%arg6 : memref<!tpu.dma_semaphore, #tpu.memory_space<semaphore_mem>>)
      %add3A_126 = arith.constant 256 : i32
      %add3A_127 = arith.addi %mul3A_36, %add3A_126 : i32
      %multiple_of3A_128 = tpu.assume_multiple %add3A_127, 128 : i32
      %add3A_129 = arith.constant 20 : i32
      %add3A_130 = arith.addi %add3A_5, %add3A_129 : i32
      %mul3A_131 = arith.constant 32 : i32
      %mul3A_132 = arith.muli %add3A_130, %mul3A_131 : i32
      %add3A_133 = arith.addi %mul3A_132, %scan3A_30 : i32
      %dma_start3A_134 = tpu.memref_slice %arg5[%multiple_of3A_128] : memref<122880xf32, #tpu.memory_space<vmem>> -> memref<1024xf32, #tpu.memory_space<vmem>>
      %dma_start3A_135 = arith.constant 0 : i32
      %dma_start3A_136 = tpu.memref_slice %arg3[%arg1, %add3A_133, %dma_start3A_135] : memref<16x1024x1024xf32, #tpu.memory_space<hbm>> -> memref<1x1x1024xf32, #tpu.memory_space<hbm>>
      %dma_start3A_137 = tpu.memref_squeeze %dma_start3A_136 : memref<1x1x1024xf32, #tpu.memory_space<hbm>> -> memref<1024xf32, #tpu.memory_space<hbm>>
      %dma_start3A_138 = arith.constant 0 : i32
      %dma_start3A_139 = tpu.memref_slice %arg3[%arg1, %add3A_133, %dma_start3A_138] : memref<16x1024x1024xf32, #tpu.memory_space<hbm>> -> memref<1x1x1024xf32, #tpu.memory_space<hbm>>
      %dma_start3A_140 = tpu.memref_squeeze %dma_start3A_139 : memref<1x1x1024xf32, #tpu.memory_space<hbm>> -> memref<1024xf32, #tpu.memory_space<hbm>>
      %dma_start3A_141 = tpu.memref_slice %arg5[%multiple_of3A_128] : memref<122880xf32, #tpu.memory_space<vmem>> -> memref<1024xf32, #tpu.memory_space<vmem>>
      tpu.enqueue_dma source(%dma_start3A_141 : memref<1024xf32, #tpu.memory_space<vmem>>) target(%dma_start3A_140 : memref<1024xf32, #tpu.memory_space<hbm>>) target_semaphore(%arg6 : memref<!tpu.dma_semaphore, #tpu.memory_space<semaphore_mem>>)
      %add3A_142 = arith.constant 128 : i32
      %add3A_143 = arith.addi %mul3A_36, %add3A_142 : i32
      %multiple_of3A_144 = tpu.assume_multiple %add3A_143, 128 : i32
      %add3A_145 = arith.constant 24 : i32
      %add3A_146 = arith.addi %add3A_5, %add3A_145 : i32
      %mul3A_147 = arith.constant 32 : i32
      %mul3A_148 = arith.muli %add3A_146, %mul3A_147 : i32
      %add3A_149 = arith.addi %mul3A_148, %scan3A_30 : i32
      %dma_start3A_150 = tpu.memref_slice %arg5[%multiple_of3A_144] : memref<122880xf32, #tpu.memory_space<vmem>> -> memref<1024xf32, #tpu.memory_space<vmem>>
      %dma_start3A_151 = arith.constant 0 : i32
      %dma_start3A_152 = tpu.memref_slice %arg3[%arg1, %add3A_149, %dma_start3A_151] : memref<16x1024x1024xf32, #tpu.memory_space<hbm>> -> memref<1x1x1024xf32, #tpu.memory_space<hbm>>
      %dma_start3A_153 = tpu.memref_squeeze %dma_start3A_152 : memref<1x1x1024xf32, #tpu.memory_space<hbm>> -> memref<1024xf32, #tpu.memory_space<hbm>>
      %dma_start3A_154 = arith.constant 0 : i32
      %dma_start3A_155 = tpu.memref_slice %arg3[%arg1, %add3A_149, %dma_start3A_154] : memref<16x1024x1024xf32, #tpu.memory_space<hbm>> -> memref<1x1x1024xf32, #tpu.memory_space<hbm>>
      %dma_start3A_156 = tpu.memref_squeeze %dma_start3A_155 : memref<1x1x1024xf32, #tpu.memory_space<hbm>> -> memref<1024xf32, #tpu.memory_space<hbm>>
      %dma_start3A_157 = tpu.memref_slice %arg5[%multiple_of3A_144] : memref<122880xf32, #tpu.memory_space<vmem>> -> memref<1024xf32, #tpu.memory_space<vmem>>
      tpu.enqueue_dma source(%dma_start3A_157 : memref<1024xf32, #tpu.memory_space<vmem>>) target(%dma_start3A_156 : memref<1024xf32, #tpu.memory_space<hbm>>) target_semaphore(%arg6 : memref<!tpu.dma_semaphore, #tpu.memory_space<semaphore_mem>>)
      %add3A_158 = arith.constant 0 : i32
      %add3A_159 = arith.addi %mul3A_36, %add3A_158 : i32
      %multiple_of3A_160 = tpu.assume_multiple %add3A_159, 128 : i32
      %add3A_161 = arith.constant 28 : i32
      %add3A_162 = arith.addi %add3A_5, %add3A_161 : i32
      %mul3A_163 = arith.constant 32 : i32
      %mul3A_164 = arith.muli %add3A_162, %mul3A_163 : i32
      %add3A_165 = arith.addi %mul3A_164, %scan3A_30 : i32
      %dma_start3A_166 = tpu.memref_slice %arg5[%multiple_of3A_160] : memref<122880xf32, #tpu.memory_space<vmem>> -> memref<1024xf32, #tpu.memory_space<vmem>>
      %dma_start3A_167 = arith.constant 0 : i32
      %dma_start3A_168 = tpu.memref_slice %arg3[%arg1, %add3A_165, %dma_start3A_167] : memref<16x1024x1024xf32, #tpu.memory_space<hbm>> -> memref<1x1x1024xf32, #tpu.memory_space<hbm>>
      %dma_start3A_169 = tpu.memref_squeeze %dma_start3A_168 : memref<1x1x1024xf32, #tpu.memory_space<hbm>> -> memref<1024xf32, #tpu.memory_space<hbm>>
      %dma_start3A_170 = arith.constant 0 : i32
      %dma_start3A_171 = tpu.memref_slice %arg3[%arg1, %add3A_165, %dma_start3A_170] : memref<16x1024x1024xf32, #tpu.memory_space<hbm>> -> memref<1x1x1024xf32, #tpu.memory_space<hbm>>
      %dma_start3A_172 = tpu.memref_squeeze %dma_start3A_171 : memref<1x1x1024xf32, #tpu.memory_space<hbm>> -> memref<1024xf32, #tpu.memory_space<hbm>>
      %dma_start3A_173 = tpu.memref_slice %arg5[%multiple_of3A_160] : memref<122880xf32, #tpu.memory_space<vmem>> -> memref<1024xf32, #tpu.memory_space<vmem>>
      tpu.enqueue_dma source(%dma_start3A_173 : memref<1024xf32, #tpu.memory_space<vmem>>) target(%dma_start3A_172 : memref<1024xf32, #tpu.memory_space<hbm>>) target_semaphore(%arg6 : memref<!tpu.dma_semaphore, #tpu.memory_space<semaphore_mem>>)
    }
    %scan3A_11 = arith.constant 32 : i32
    %mul3A_12 = arith.constant 2 : i32
    %mul3A_13 = arith.muli %mul3A_12, %arg0 : i32
    %add3A_14 = arith.constant 1 : i32
    %add3A_15 = arith.addi %mul3A_13, %add3A_14 : i32
    %sub3A_16 = arith.constant 3 : i32
    %sub3A_17 = arith.subi %sub3A_16, %add3A_15 : i32
    %scan3A_18 = arith.constant 0 : i32
    %scan3A_19 = arith.constant 0 : i32
    %scan3A_20 = arith.constant 32 : i32
    %scan3A_21 = arith.addi %scan3A_19, %scan3A_20 : i32
    %scan3A_22 = arith.constant 1 : i32
    scf.for %scan3A_30 = %scan3A_19 to %scan3A_21 step %scan3A_22  : i32 {
      %sub3A_31 = arith.constant 31 : i32
      %sub3A_32 = arith.subi %sub3A_31, %scan3A_30 : i32
      %add3A_33 = arith.constant 32 : i32
      %add3A_34 = arith.addi %add3A_33, %scan3A_30 : i32
      %mul3A_35 = arith.constant 1920 : i32
      %mul3A_36 = arith.muli %add3A_34, %mul3A_35 : i32
      %mul3A_37 = arith.constant 64 : i32
      %mul3A_38 = arith.muli %sub3A_17, %mul3A_37 : i32
      %add3A_39 = arith.addi %mul3A_38, %sub3A_32 : i32
      %add3A_40 = vector.broadcast %add3A_39 : i32 to vector<16xi32>
      %add3A_41 = arith.addi %add3A_40, %iota3A : vector<16xi32>
      %scan3A_42 = arith.constant 0 : i32
      %scan3A_43 = arith.constant 60 : i32
      %scan3A_44 = arith.addi %scan3A_42, %scan3A_43 : i32
      %scan3A_45 = arith.constant 1 : i32
      %scan3A_46 = scf.for %scan3A_174 = %scan3A_42 to %scan3A_44 step %scan3A_45 iter_args(%scan3A_175 = %add3A_41) -> (vector<16xi32>)  : i32 {
        %gather3A = tpu.vector_load_idx %arg4[%scan3A_175] : memref<4096xf32, #tpu.memory_space<vmem>>[vector<16xi32>], vector<16xf32>,
        %add3A_176 = arith.constant 16 : i32
        %add3A_177 = vector.broadcast %add3A_176 : i32 to vector<16xi32>
        %add3A_178 = arith.addi %scan3A_175, %add3A_177 : vector<16xi32>
        %gather3A_179 = tpu.vector_load_idx %arg4[%add3A_178] : memref<4096xf32, #tpu.memory_space<vmem>>[vector<16xi32>], vector<16xf32>,
        %mul3A_180 = arith.constant 32 : i32
        %mul3A_181 = arith.muli %scan3A_174, %mul3A_180 : i32
        %add3A_182 = arith.addi %mul3A_36, %mul3A_181 : i32
        %swap3A = arith.index_cast %add3A_182 : i32 to index
        %swap3A_183 = tpu.vector_load %arg5[%swap3A] {strides = array<i32>} : memref<122880xf32, #tpu.memory_space<vmem>>, vector<16xf32>,
        tpu.vector_store %arg5[%swap3A], %gather3A {strides = array<i32>} : memref<122880xf32, #tpu.memory_space<vmem>>, vector<16xf32>,
        %add3A_184 = arith.constant 16 : i32
        %add3A_185 = arith.addi %add3A_182, %add3A_184 : i32
        %swap3A_186 = arith.index_cast %add3A_185 : i32 to index
        %swap3A_187 = tpu.vector_load %arg5[%swap3A_186] {strides = array<i32>} : memref<122880xf32, #tpu.memory_space<vmem>>, vector<16xf32>,
        tpu.vector_store %arg5[%swap3A_186], %gather3A_179 {strides = array<i32>} : memref<122880xf32, #tpu.memory_space<vmem>>, vector<16xf32>,
        %add3A_188 = arith.constant 64 : i32
        %add3A_189 = vector.broadcast %add3A_188 : i32 to vector<16xi32>
        %add3A_190 = arith.addi %scan3A_175, %add3A_189 : vector<16xi32>
        scf.yield %add3A_190 : vector<16xi32>
      }
      %scan3A_47 = arith.constant 60 : i32
      %add3A_48 = arith.constant 896 : i32
      %add3A_49 = arith.addi %mul3A_36, %add3A_48 : i32
      %multiple_of3A = tpu.assume_multiple %add3A_49, 128 : i32
      %add3A_50 = arith.constant 0 : i32
      %add3A_51 = arith.addi %add3A_15, %add3A_50 : i32
      %mul3A_52 = arith.constant 32 : i32
      %mul3A_53 = arith.muli %add3A_51, %mul3A_52 : i32
      %add3A_54 = arith.addi %mul3A_53, %scan3A_30 : i32
      %dma_start3A = tpu.memref_slice %arg5[%multiple_of3A] : memref<122880xf32, #tpu.memory_space<vmem>> -> memref<1024xf32, #tpu.memory_space<vmem>>
      %dma_start3A_55 = arith.constant 0 : i32
      %dma_start3A_56 = tpu.memref_slice %arg3[%arg1, %add3A_54, %dma_start3A_55] : memref<16x1024x1024xf32, #tpu.memory_space<hbm>> -> memref<1x1x1024xf32, #tpu.memory_space<hbm>>
      %dma_start3A_57 = tpu.memref_squeeze %dma_start3A_56 : memref<1x1x1024xf32, #tpu.memory_space<hbm>> -> memref<1024xf32, #tpu.memory_space<hbm>>
      %dma_start3A_58 = arith.constant 0 : i32
      %dma_start3A_59 = tpu.memref_slice %arg3[%arg1, %add3A_54, %dma_start3A_58] : memref<16x1024x1024xf32, #tpu.memory_space<hbm>> -> memref<1x1x1024xf32, #tpu.memory_space<hbm>>
      %dma_start3A_60 = tpu.memref_squeeze %dma_start3A_59 : memref<1x1x1024xf32, #tpu.memory_space<hbm>> -> memref<1024xf32, #tpu.memory_space<hbm>>
      %dma_start3A_61 = tpu.memref_slice %arg5[%multiple_of3A] : memref<122880xf32, #tpu.memory_space<vmem>> -> memref<1024xf32, #tpu.memory_space<vmem>>
      tpu.enqueue_dma source(%dma_start3A_61 : memref<1024xf32, #tpu.memory_space<vmem>>) target(%dma_start3A_60 : memref<1024xf32, #tpu.memory_space<hbm>>) target_semaphore(%arg6 : memref<!tpu.dma_semaphore, #tpu.memory_space<semaphore_mem>>)
      %add3A_62 = arith.constant 768 : i32
      %add3A_63 = arith.addi %mul3A_36, %add3A_62 : i32
      %multiple_of3A_64 = tpu.assume_multiple %add3A_63, 128 : i32
      %add3A_65 = arith.constant 4 : i32
      %add3A_66 = arith.addi %add3A_15, %add3A_65 : i32
      %mul3A_67 = arith.constant 32 : i32
      %mul3A_68 = arith.muli %add3A_66, %mul3A_67 : i32
      %add3A_69 = arith.addi %mul3A_68, %scan3A_30 : i32
      %dma_start3A_70 = tpu.memref_slice %arg5[%multiple_of3A_64] : memref<122880xf32, #tpu.memory_space<vmem>> -> memref<1024xf32, #tpu.memory_space<vmem>>
      %dma_start3A_71 = arith.constant 0 : i32
      %dma_start3A_72 = tpu.memref_slice %arg3[%arg1, %add3A_69, %dma_start3A_71] : memref<16x1024x1024xf32, #tpu.memory_space<hbm>> -> memref<1x1x1024xf32, #tpu.memory_space<hbm>>
      %dma_start3A_73 = tpu.memref_squeeze %dma_start3A_72 : memref<1x1x1024xf32, #tpu.memory_space<hbm>> -> memref<1024xf32, #tpu.memory_space<hbm>>
      %dma_start3A_74 = arith.constant 0 : i32
      %dma_start3A_75 = tpu.memref_slice %arg3[%arg1, %add3A_69, %dma_start3A_74] : memref<16x1024x1024xf32, #tpu.memory_space<hbm>> -> memref<1x1x1024xf32, #tpu.memory_space<hbm>>
      %dma_start3A_76 = tpu.memref_squeeze %dma_start3A_75 : memref<1x1x1024xf32, #tpu.memory_space<hbm>> -> memref<1024xf32, #tpu.memory_space<hbm>>
      %dma_start3A_77 = tpu.memref_slice %arg5[%multiple_of3A_64] : memref<122880xf32, #tpu.memory_space<vmem>> -> memref<1024xf32, #tpu.memory_space<vmem>>
      tpu.enqueue_dma source(%dma_start3A_77 : memref<1024xf32, #tpu.memory_space<vmem>>) target(%dma_start3A_76 : memref<1024xf32, #tpu.memory_space<hbm>>) target_semaphore(%arg6 : memref<!tpu.dma_semaphore, #tpu.memory_space<semaphore_mem>>)
      %add3A_78 = arith.constant 640 : i32
      %add3A_79 = arith.addi %mul3A_36, %add3A_78 : i32
      %multiple_of3A_80 = tpu.assume_multiple %add3A_79, 128 : i32
      %add3A_81 = arith.constant 8 : i32
      %add3A_82 = arith.addi %add3A_15, %add3A_81 : i32
      %mul3A_83 = arith.constant 32 : i32
      %mul3A_84 = arith.muli %add3A_82, %mul3A_83 : i32
      %add3A_85 = arith.addi %mul3A_84, %scan3A_30 : i32
      %dma_start3A_86 = tpu.memref_slice %arg5[%multiple_of3A_80] : memref<122880xf32, #tpu.memory_space<vmem>> -> memref<1024xf32, #tpu.memory_space<vmem>>
      %dma_start3A_87 = arith.constant 0 : i32
      %dma_start3A_88 = tpu.memref_slice %arg3[%arg1, %add3A_85, %dma_start3A_87] : memref<16x1024x1024xf32, #tpu.memory_space<hbm>> -> memref<1x1x1024xf32, #tpu.memory_space<hbm>>
      %dma_start3A_89 = tpu.memref_squeeze %dma_start3A_88 : memref<1x1x1024xf32, #tpu.memory_space<hbm>> -> memref<1024xf32, #tpu.memory_space<hbm>>
      %dma_start3A_90 = arith.constant 0 : i32
      %dma_start3A_91 = tpu.memref_slice %arg3[%arg1, %add3A_85, %dma_start3A_90] : memref<16x1024x1024xf32, #tpu.memory_space<hbm>> -> memref<1x1x1024xf32, #tpu.memory_space<hbm>>
      %dma_start3A_92 = tpu.memref_squeeze %dma_start3A_91 : memref<1x1x1024xf32, #tpu.memory_space<hbm>> -> memref<1024xf32, #tpu.memory_space<hbm>>
      %dma_start3A_93 = tpu.memref_slice %arg5[%multiple_of3A_80] : memref<122880xf32, #tpu.memory_space<vmem>> -> memref<1024xf32, #tpu.memory_space<vmem>>
      tpu.enqueue_dma source(%dma_start3A_93 : memref<1024xf32, #tpu.memory_space<vmem>>) target(%dma_start3A_92 : memref<1024xf32, #tpu.memory_space<hbm>>) target_semaphore(%arg6 : memref<!tpu.dma_semaphore, #tpu.memory_space<semaphore_mem>>)
      %add3A_94 = arith.constant 512 : i32
      %add3A_95 = arith.addi %mul3A_36, %add3A_94 : i32
      %multiple_of3A_96 = tpu.assume_multiple %add3A_95, 128 : i32
      %add3A_97 = arith.constant 12 : i32
      %add3A_98 = arith.addi %add3A_15, %add3A_97 : i32
      %mul3A_99 = arith.constant 32 : i32
      %mul3A_100 = arith.muli %add3A_98, %mul3A_99 : i32
      %add3A_101 = arith.addi %mul3A_100, %scan3A_30 : i32
      %dma_start3A_102 = tpu.memref_slice %arg5[%multiple_of3A_96] : memref<122880xf32, #tpu.memory_space<vmem>> -> memref<1024xf32, #tpu.memory_space<vmem>>
      %dma_start3A_103 = arith.constant 0 : i32
      %dma_start3A_104 = tpu.memref_slice %arg3[%arg1, %add3A_101, %dma_start3A_103] : memref<16x1024x1024xf32, #tpu.memory_space<hbm>> -> memref<1x1x1024xf32, #tpu.memory_space<hbm>>
      %dma_start3A_105 = tpu.memref_squeeze %dma_start3A_104 : memref<1x1x1024xf32, #tpu.memory_space<hbm>> -> memref<1024xf32, #tpu.memory_space<hbm>>
      %dma_start3A_106 = arith.constant 0 : i32
      %dma_start3A_107 = tpu.memref_slice %arg3[%arg1, %add3A_101, %dma_start3A_106] : memref<16x1024x1024xf32, #tpu.memory_space<hbm>> -> memref<1x1x1024xf32, #tpu.memory_space<hbm>>
      %dma_start3A_108 = tpu.memref_squeeze %dma_start3A_107 : memref<1x1x1024xf32, #tpu.memory_space<hbm>> -> memref<1024xf32, #tpu.memory_space<hbm>>
      %dma_start3A_109 = tpu.memref_slice %arg5[%multiple_of3A_96] : memref<122880xf32, #tpu.memory_space<vmem>> -> memref<1024xf32, #tpu.memory_space<vmem>>
      tpu.enqueue_dma source(%dma_start3A_109 : memref<1024xf32, #tpu.memory_space<vmem>>) target(%dma_start3A_108 : memref<1024xf32, #tpu.memory_space<hbm>>) target_semaphore(%arg6 : memref<!tpu.dma_semaphore, #tpu.memory_space<semaphore_mem>>)
      %add3A_110 = arith.constant 384 : i32
      %add3A_111 = arith.addi %mul3A_36, %add3A_110 : i32
      %multiple_of3A_112 = tpu.assume_multiple %add3A_111, 128 : i32
      %add3A_113 = arith.constant 16 : i32
      %add3A_114 = arith.addi %add3A_15, %add3A_113 : i32
      %mul3A_115 = arith.constant 32 : i32
      %mul3A_116 = arith.muli %add3A_114, %mul3A_115 : i32
      %add3A_117 = arith.addi %mul3A_116, %scan3A_30 : i32
      %dma_start3A_118 = tpu.memref_slice %arg5[%multiple_of3A_112] : memref<122880xf32, #tpu.memory_space<vmem>> -> memref<1024xf32, #tpu.memory_space<vmem>>
      %dma_start3A_119 = arith.constant 0 : i32
      %dma_start3A_120 = tpu.memref_slice %arg3[%arg1, %add3A_117, %dma_start3A_119] : memref<16x1024x1024xf32, #tpu.memory_space<hbm>> -> memref<1x1x1024xf32, #tpu.memory_space<hbm>>
      %dma_start3A_121 = tpu.memref_squeeze %dma_start3A_120 : memref<1x1x1024xf32, #tpu.memory_space<hbm>> -> memref<1024xf32, #tpu.memory_space<hbm>>
      %dma_start3A_122 = arith.constant 0 : i32
      %dma_start3A_123 = tpu.memref_slice %arg3[%arg1, %add3A_117, %dma_start3A_122] : memref<16x1024x1024xf32, #tpu.memory_space<hbm>> -> memref<1x1x1024xf32, #tpu.memory_space<hbm>>
      %dma_start3A_124 = tpu.memref_squeeze %dma_start3A_123 : memref<1x1x1024xf32, #tpu.memory_space<hbm>> -> memref<1024xf32, #tpu.memory_space<hbm>>
      %dma_start3A_125 = tpu.memref_slice %arg5[%multiple_of3A_112] : memref<122880xf32, #tpu.memory_space<vmem>> -> memref<1024xf32, #tpu.memory_space<vmem>>
      tpu.enqueue_dma source(%dma_start3A_125 : memref<1024xf32, #tpu.memory_space<vmem>>) target(%dma_start3A_124 : memref<1024xf32, #tpu.memory_space<hbm>>) target_semaphore(%arg6 : memref<!tpu.dma_semaphore, #tpu.memory_space<semaphore_mem>>)
      %add3A_126 = arith.constant 256 : i32
      %add3A_127 = arith.addi %mul3A_36, %add3A_126 : i32
      %multiple_of3A_128 = tpu.assume_multiple %add3A_127, 128 : i32
      %add3A_129 = arith.constant 20 : i32
      %add3A_130 = arith.addi %add3A_15, %add3A_129 : i32
      %mul3A_131 = arith.constant 32 : i32
      %mul3A_132 = arith.muli %add3A_130, %mul3A_131 : i32
      %add3A_133 = arith.addi %mul3A_132, %scan3A_30 : i32
      %dma_start3A_134 = tpu.memref_slice %arg5[%multiple_of3A_128] : memref<122880xf32, #tpu.memory_space<vmem>> -> memref<1024xf32, #tpu.memory_space<vmem>>
      %dma_start3A_135 = arith.constant 0 : i32
      %dma_start3A_136 = tpu.memref_slice %arg3[%arg1, %add3A_133, %dma_start3A_135] : memref<16x1024x1024xf32, #tpu.memory_space<hbm>> -> memref<1x1x1024xf32, #tpu.memory_space<hbm>>
      %dma_start3A_137 = tpu.memref_squeeze %dma_start3A_136 : memref<1x1x1024xf32, #tpu.memory_space<hbm>> -> memref<1024xf32, #tpu.memory_space<hbm>>
      %dma_start3A_138 = arith.constant 0 : i32
      %dma_start3A_139 = tpu.memref_slice %arg3[%arg1, %add3A_133, %dma_start3A_138] : memref<16x1024x1024xf32, #tpu.memory_space<hbm>> -> memref<1x1x1024xf32, #tpu.memory_space<hbm>>
      %dma_start3A_140 = tpu.memref_squeeze %dma_start3A_139 : memref<1x1x1024xf32, #tpu.memory_space<hbm>> -> memref<1024xf32, #tpu.memory_space<hbm>>
      %dma_start3A_141 = tpu.memref_slice %arg5[%multiple_of3A_128] : memref<122880xf32, #tpu.memory_space<vmem>> -> memref<1024xf32, #tpu.memory_space<vmem>>
      tpu.enqueue_dma source(%dma_start3A_141 : memref<1024xf32, #tpu.memory_space<vmem>>) target(%dma_start3A_140 : memref<1024xf32, #tpu.memory_space<hbm>>) target_semaphore(%arg6 : memref<!tpu.dma_semaphore, #tpu.memory_space<semaphore_mem>>)
      %add3A_142 = arith.constant 128 : i32
      %add3A_143 = arith.addi %mul3A_36, %add3A_142 : i32
      %multiple_of3A_144 = tpu.assume_multiple %add3A_143, 128 : i32
      %add3A_145 = arith.constant 24 : i32
      %add3A_146 = arith.addi %add3A_15, %add3A_145 : i32
      %mul3A_147 = arith.constant 32 : i32
      %mul3A_148 = arith.muli %add3A_146, %mul3A_147 : i32
      %add3A_149 = arith.addi %mul3A_148, %scan3A_30 : i32
      %dma_start3A_150 = tpu.memref_slice %arg5[%multiple_of3A_144] : memref<122880xf32, #tpu.memory_space<vmem>> -> memref<1024xf32, #tpu.memory_space<vmem>>
      %dma_start3A_151 = arith.constant 0 : i32
      %dma_start3A_152 = tpu.memref_slice %arg3[%arg1, %add3A_149, %dma_start3A_151] : memref<16x1024x1024xf32, #tpu.memory_space<hbm>> -> memref<1x1x1024xf32, #tpu.memory_space<hbm>>
      %dma_start3A_153 = tpu.memref_squeeze %dma_start3A_152 : memref<1x1x1024xf32, #tpu.memory_space<hbm>> -> memref<1024xf32, #tpu.memory_space<hbm>>
      %dma_start3A_154 = arith.constant 0 : i32
      %dma_start3A_155 = tpu.memref_slice %arg3[%arg1, %add3A_149, %dma_start3A_154] : memref<16x1024x1024xf32, #tpu.memory_space<hbm>> -> memref<1x1x1024xf32, #tpu.memory_space<hbm>>
      %dma_start3A_156 = tpu.memref_squeeze %dma_start3A_155 : memref<1x1x1024xf32, #tpu.memory_space<hbm>> -> memref<1024xf32, #tpu.memory_space<hbm>>
      %dma_start3A_157 = tpu.memref_slice %arg5[%multiple_of3A_144] : memref<122880xf32, #tpu.memory_space<vmem>> -> memref<1024xf32, #tpu.memory_space<vmem>>
      tpu.enqueue_dma source(%dma_start3A_157 : memref<1024xf32, #tpu.memory_space<vmem>>) target(%dma_start3A_156 : memref<1024xf32, #tpu.memory_space<hbm>>) target_semaphore(%arg6 : memref<!tpu.dma_semaphore, #tpu.memory_space<semaphore_mem>>)
      %add3A_158 = arith.constant 0 : i32
      %add3A_159 = arith.addi %mul3A_36, %add3A_158 : i32
      %multiple_of3A_160 = tpu.assume_multiple %add3A_159, 128 : i32
      %add3A_161 = arith.constant 28 : i32
      %add3A_162 = arith.addi %add3A_15, %add3A_161 : i32
      %mul3A_163 = arith.constant 32 : i32
      %mul3A_164 = arith.muli %add3A_162, %mul3A_163 : i32
      %add3A_165 = arith.addi %mul3A_164, %scan3A_30 : i32
      %dma_start3A_166 = tpu.memref_slice %arg5[%multiple_of3A_160] : memref<122880xf32, #tpu.memory_space<vmem>> -> memref<1024xf32, #tpu.memory_space<vmem>>
      %dma_start3A_167 = arith.constant 0 : i32
      %dma_start3A_168 = tpu.memref_slice %arg3[%arg1, %add3A_165, %dma_start3A_167] : memref<16x1024x1024xf32, #tpu.memory_space<hbm>> -> memref<1x1x1024xf32, #tpu.memory_space<hbm>>
      %dma_start3A_169 = tpu.memref_squeeze %dma_start3A_168 : memref<1x1x1024xf32, #tpu.memory_space<hbm>> -> memref<1024xf32, #tpu.memory_space<hbm>>
      %dma_start3A_170 = arith.constant 0 : i32
      %dma_start3A_171 = tpu.memref_slice %arg3[%arg1, %add3A_165, %dma_start3A_170] : memref<16x1024x1024xf32, #tpu.memory_space<hbm>> -> memref<1x1x1024xf32, #tpu.memory_space<hbm>>
      %dma_start3A_172 = tpu.memref_squeeze %dma_start3A_171 : memref<1x1x1024xf32, #tpu.memory_space<hbm>> -> memref<1024xf32, #tpu.memory_space<hbm>>
      %dma_start3A_173 = tpu.memref_slice %arg5[%multiple_of3A_160] : memref<122880xf32, #tpu.memory_space<vmem>> -> memref<1024xf32, #tpu.memory_space<vmem>>
      tpu.enqueue_dma source(%dma_start3A_173 : memref<1024xf32, #tpu.memory_space<vmem>>) target(%dma_start3A_172 : memref<1024xf32, #tpu.memory_space<hbm>>) target_semaphore(%arg6 : memref<!tpu.dma_semaphore, #tpu.memory_space<semaphore_mem>>)
    }
    %scan3A_23 = arith.constant 32 : i32
    %scan3A_24 = arith.constant 0 : i32
    %scan3A_25 = arith.constant 0 : i32
    %scan3A_26 = arith.constant 512 : i32
    %scan3A_27 = arith.addi %scan3A_25, %scan3A_26 : i32
    %scan3A_28 = arith.constant 1 : i32
    scf.for %scan3A_30 = %scan3A_25 to %scan3A_27 step %scan3A_28  : i32 {
      %dma_wait3A = arith.constant 0 : i32
      %dma_wait3A_31 = arith.constant 0 : i32
      %dma_wait3A_32 = arith.constant 0 : i32
      %dma_wait3A_33 = tpu.memref_slice %arg5[%dma_wait3A_32] : memref<122880xf32, #tpu.memory_space<vmem>> -> memref<1024xf32, #tpu.memory_space<vmem>>
      %dma_wait3A_34 = arith.constant 0 : i32
      %dma_wait3A_35 = tpu.memref_slice %arg3[%dma_wait3A, %dma_wait3A_31, %dma_wait3A_34] : memref<16x1024x1024xf32, #tpu.memory_space<hbm>> -> memref<1x1x1024xf32, #tpu.memory_space<hbm>>
      %dma_wait3A_36 = tpu.memref_squeeze %dma_wait3A_35 : memref<1x1x1024xf32, #tpu.memory_space<hbm>> -> memref<1024xf32, #tpu.memory_space<hbm>>
      %dma_wait3A_37 = arith.constant 0 : i32
      %dma_wait3A_38 = tpu.memref_slice %arg3[%dma_wait3A, %dma_wait3A_31, %dma_wait3A_37] : memref<16x1024x1024xf32, #tpu.memory_space<hbm>> -> memref<1x1x1024xf32, #tpu.memory_space<hbm>>
      %dma_wait3A_39 = tpu.memref_squeeze %dma_wait3A_38 : memref<1x1x1024xf32, #tpu.memory_space<hbm>> -> memref<1024xf32, #tpu.memory_space<hbm>>
      %dma_wait3A_40 = arith.constant 0 : i32
      %dma_wait3A_41 = tpu.memref_slice %arg5[%dma_wait3A_40] : memref<122880xf32, #tpu.memory_space<vmem>> -> memref<1024xf32, #tpu.memory_space<vmem>>
      tpu.wait_dma2 semaphore(%arg6 : memref<!tpu.dma_semaphore, #tpu.memory_space<semaphore_mem>>) src(%dma_wait3A_41 : memref<1024xf32, #tpu.memory_space<vmem>>) dst(%dma_wait3A_39 : memref<1024xf32, #tpu.memory_space<hbm>>)
    }
    %scan3A_29 = arith.constant 512 : i32
    return
  }
}

</mosaic_0001>

<sc_bundles>
// kernel: kernel.3.cloned.1.call-start
scs
__scs_entry_jumppad:
0x0: {  	(pc) =	sbr.rel $0x88, $3  }
0x1: {  	(tag) =	ssettag $0x0;
	lr =	simm.s32 $0x1  }
0x2: {  	[smem:$0x3FA0] =	sst lr;
	_ =	strace $0xD0000000  }
0x3: {  	_ = 	snop  }
0x4: {  	_ = 	snop  }
0x5: {  	_ = 	snop  }
0x6: {  	_ = 	snop  }
0x7: {  	_ = 	snop  }
__scs_overlays_trampoline_lowered:
0x8: {  	[smem:$0x3FAF] =	sst s0  }
0x9: {  	[smem:$0x3FB0] =	sst s1  }
0xa: {  	[smem:$0x3FB1] =	sst s2  }
0xb: {  	[smem:$0x3FB2] =	sst s3  }
0xc: {  	[smem:$0x3FB3] =	sst s4  }
0xd: {  	[smem:$0x3FB4] =	sst s5  }
0xe: {  	[smem:$0x3FB5] =	sst s6  }
0xf: {  	[smem:$0x3FB6] =	sst s7  }
0x10: {  	[smem:$0x3FB7] =	sst s8  }
0x11: {  	[smem:$0x3FB8] =	sst s9;
	s0 =	simm.s32 @!p0 $0x0  }
0x12: {  	s1 =	sld [smem:$0x3F9E];
	s0 =	simm.s32 @p0 $0x1  }
0x13: {  	[smem:$0x3FB9] =	sst s0;
	s0 =	simm.s32 @!p1 $0x0  }
0x14: {  	s2 =	sld [smem:$0x3F9D];
	s0 =	simm.s32 @p1 $0x1  }
0x15: {  	[smem:$0x3FBA] =	sst s0;
	s0 =	simm.s32 @!p2 $0x0  }
0x16: {  	s3 =	sld [smem:$0x3FDB];
	s0 =	simm.s32 @p2 $0x1  }
0x17: {  	s4 =	simm.s32 $0x1BF5;
	[smem:$0x3FBC] =	sst s0  }
0x18: {  	s0 =	sld [smem:$0x3F9F];
	_ =	swait.ge [sflag:s4], $0x0  }
0x19: {  	s7 =	sld [smem:$0x3FA0]  }
0x1a: {  	s8 =	sadd.s32 $0xFFFFE003, lr  }
0x1b: {  	s9 =	sadd.s32 $0xFFFFFEF7, lr;
	s5 =	simm.s32 $0xFFFFFFFF;
	p2 =	slt.u32 s8, $0xFFFFF086  }
0x1c: {  	p1 =	slt.u32 s9, $0xF7A;
	s5 =	simm.s32 @!p2 $0x0  }
0x1d: {  	s5 =	simm.s32 @p1 $0x1;
	p0 =	seq.s32 s7, s2  }
0x1e: {  	s7 =	smul.u32 @!p0 $0xF7A, s2;
	p2 =	seq.s32 @!p0 s5, $0x0  }
0x1f: {  	s9 =	smul.u32 $0xF7A, s1;
	s8 =	simm.s32 @!p0 $0x1BF5;
	p2 =	por !p2, p0  }
0x20: {  	[sflag:s8] =	ssyncset.s32 @!p0 $0xFFFFF086;
	s6 =	sadd.s32 @!p0 s3, s7;
	s7 =	simm.s32 @!p0 $0x108  }
0x21: {  	s3 =	sadd.s32 s3, s9;
	s6 =	sadd.s32 @!p0 $0x88, s6;
	s7 =	simm.s32 @p2 $0x1082  }
0x22: {  	[simem:s7], [sflag:s8] =	dma.local @!p0 [hbm:s6], $0xF7A  }
0x23: {  	s9 =	sor.u32 $0xD0000000, s2;
	s6 =	simm.s32 $0x108;
	_ =	swait.ge @!p0 [sflag:s8], $0x0  }
0x24: {  	s3 =	sadd.s32 $0x88, s3;
	s6 =	simm.s32 @!p1 $0x1082;
	[sflag:s4] =	ssyncset.s32 $0xFFFFF086  }
0x25: {  	[simem:s6], [sflag:s4] =	dma.local [hbm:s3], $0xF7A  }
0x26: {  	[smem:$0x3FA0] =	sst s1;
	(tag) =	ssettag s2;
	_ =	strace s9  }
0x27: {  	s1 =	sld [smem:$0x3FB0]  }
0x28: {  	s2 =	sld [smem:$0x3FB1]  }
0x29: {  	s4 =	sld [smem:$0x3FB3]  }
0x2a: {  	p0 =	seq.s32 s5, $0x0;
	s5 =	sld [smem:$0x3FB4]  }
0x2b: {  	s6 =	sld [smem:$0x3FB5]  }
0x2c: {  	s7 =	sld [smem:$0x3FB6]  }
0x2d: {  	s3 =	simm.s32 $0x108;
	s8 =	sld [smem:$0x3FB7]  }
0x2e: {  	s3 =	simm.s32 @!p0 $0x1082;
	s9 =	sld [smem:$0x3FB8]  }
0x2f: {  	lr =	sadd.s32 s0, s3;
	s0 =	sld [smem:$0x3FAF]  }
0x30: {  	s3 =	sld [smem:$0x3FB2]  }
0x31: {  	[smem:$0x3FBB] =	sst s10  }
0x32: {  	s10 =	sld [smem:$0x3FB9];
	_ =	sdelay $0x3  }
0x33: {  	p0 =	seq.s32 s10, $0x1;
	s10 =	sld [smem:$0x3FBB];
	_ =	sdelay $0x3  }
0x34: {  	[smem:$0x3FBB] =	sst s10  }
0x35: {  	s10 =	sld [smem:$0x3FBA];
	_ =	sdelay $0x3  }
0x36: {  	p1 =	seq.s32 s10, $0x1;
	s10 =	sld [smem:$0x3FBB];
	_ =	sdelay $0x3  }
0x37: {  	[smem:$0x3FBB] =	sst s10  }
0x38: {  	s10 =	sld [smem:$0x3FBC]  }
0x39: {  	_ = 	snop;
	(pc) =	sbr.ind lr, $3  }
0x3a: {  	_ = 	snop  }
0x3b: {  	_ = 	snop  }
0x3c: {  	p2 =	seq.s32 s10, $0x1;
	s10 =	sld [smem:$0x3FBB]  }
0x3d: {  	_ =	shalt  }
0x3e: {  	_ =	shalt  }
0x3f: {  	_ =	shalt  }
0x40: {  	_ =	shalt  }
0x41: {  	_ =	shalt  }
0x42: {  	_ =	shalt  }
0x43: {  	_ =	shalt  }
0x44: {  	_ =	shalt  }
0x45: {  	_ =	shalt  }
0x46: {  	_ =	shalt  }
0x47: {  	_ =	shalt  }
0x48: {  	_ =	shalt  }
0x49: {  	_ =	shalt  }
0x4a: {  	_ =	shalt  }
0x4b: {  	_ =	shalt  }
0x4c: {  	_ =	shalt  }
0x4d: {  	_ =	shalt  }
0x4e: {  	_ =	shalt  }
0x4f: {  	_ =	shalt  }
0x50: {  	_ =	shalt  }
0x51: {  	_ =	shalt  }
0x52: {  	_ =	shalt  }
0x53: {  	_ =	shalt  }
0x54: {  	_ =	shalt  }
0x55: {  	_ =	shalt  }
0x56: {  	_ =	shalt  }
0x57: {  	_ =	shalt  }
0x58: {  	_ =	shalt  }
0x59: {  	_ =	shalt  }
0x5a: {  	_ =	shalt  }
0x5b: {  	_ =	shalt  }
0x5c: {  	_ =	shalt  }
0x5d: {  	_ =	shalt  }
0x5e: {  	_ =	shalt  }
0x5f: {  	_ =	shalt  }
0x60: {  	_ =	shalt  }
0x61: {  	_ =	shalt  }
0x62: {  	_ =	shalt  }
0x63: {  	_ =	shalt  }
0x64: {  	_ =	shalt  }
0x65: {  	_ =	shalt  }
0x66: {  	_ =	shalt  }
0x67: {  	_ =	shalt  }
0x68: {  	_ =	shalt  }
0x69: {  	_ =	shalt  }
0x6a: {  	_ =	shalt  }
0x6b: {  	_ =	shalt  }
0x6c: {  	_ =	shalt  }
0x6d: {  	_ =	shalt  }
0x6e: {  	_ =	shalt  }
0x6f: {  	_ =	shalt  }
0x70: {  	_ =	shalt  }
0x71: {  	_ =	shalt  }
0x72: {  	_ =	shalt  }
0x73: {  	_ =	shalt  }
0x74: {  	_ =	shalt  }
0x75: {  	_ =	shalt  }
0x76: {  	_ =	shalt  }
0x77: {  	_ =	shalt  }
0x78: {  	_ =	shalt  }
0x79: {  	_ =	shalt  }
0x7a: {  	_ =	shalt  }
0x7b: {  	_ =	shalt  }
0x7c: {  	_ =	shalt  }
0x7d: {  	_ =	shalt  }
0x7e: {  	_ =	shalt  }
0x7f: {  	_ =	shalt  }
0x80: {  	_ =	shalt  }
0x81: {  	_ =	shalt  }
0x82: {  	_ =	shalt  }
0x83: {  	_ =	shalt  }
0x84: {  	_ =	shalt  }
0x85: {  	_ =	shalt  }
0x86: {  	_ =	shalt  }
0x87: {  	_ =	shalt  }
.Lfunc_end0:
.L_simem_size_0:
called_computation_lowered:
.L_overlay_start_0:
0x88: {  	s2 =	sld [smem:$0x3FD9]  }
0x89: {  	s3 =	sld [smem:$0x3FFE];
	_ =	sdelay $0x1  }
0x8a: {  	s1 =	srdreg.scid  }
0x8b: {  	s0 =	sand.u32 $0x1, s1  }
0x8c: {  	s17 =	sshll.u32 s0, $0xA;
	s2 =	sadd.s32 s3, s2  }
0x8d: {  	s2 =	sadd.s32 s2, s17  }
0x8e: {  	[smem:$0x3FC7] =	sst s2  }
0x8f: {  	_ = 	snop  }
0x90: {  	s2 =	sld [smem:$0x3FD0];
	(tm) =	ssettm $0x1  }
0x91: {  	s18 =	sld [smem:$0x3FFB];
	_ =	sdelay $0x3  }
0x92: {  	_ =	strace s18  }
0x93: {  	s3 =	sld [smem:$0x3FFC];
	_ =	sdelay $0x3  }
0x94: {  	_ =	strace s3  }
0x95: {  	s3 =	sld [smem:$0x3FFD];
	_ =	sdelay $0x3  }
0x96: {  	_ =	strace s3  }
0x97: {  	_ =	strace $0x8FFFFFFF  }
0x98: {  	s19 =	sld [smem:$0x3FDB];
	_ =	sdelay $0x1  }
0x99: {  	s4 =	simm.s32 $_scs_section_size  }
0x9a: {  	s5 =	simm.s32 $_size__tile_overlayer_lowered;
	s6 =	simm.s32 $_tile_overlayer_lowered  }
0x9b: {  	s22 =	simm.s32 $0x1BFF;
	s21 =	sshll.u32 s6, $0x1;
	s3 =	sadd.s32 s4, s19  }
0x9c: {  	s7 =	simm.s32 $0x0;
	s20 =	sshll.u32 s5, $0x1;
	s5 =	sadd.s32 s21, s3  }
0x9d: {  	[timem:s7], [sflag:s22] =	dma.local [hbm:s5], s20  }
0x9e: {  	_ =	swait.ge [sflag:s22], s20  }
0x9f: {  	s4 =	ssub.s32 $0x0, s20;
	[sflag:s22] =	ssyncset.done $0x0  }
0xa0: {  	[sflag:s22] =	ssyncadd.s32 s4;
	_ =	sdelay $0x1  }
0xa1: {  	s23 =	simm.s32 $0x1B8B  }
0xa2: {  	_ =	swait.ge [sflag:s23], $0x1  }
0xa3: {  	[sflag:s23] =	ssyncset.done $0x0  }
0xa4: {  	s25 =	simm.s32 $0x1B8E;
	s24 =	sld [smem:$0x3FFE];
	[sflag:s23] =	ssyncadd.s32 $0xFFFFFFFF  }
0xa5: {  	s26 =	simm.s32 $execute0_lowered;
	[smem:$0x3FD2] =	sst s25  }
0xa6: {  	s5 =	sshll.u32 s26, $0x1;
	_ =	strace $0x80000046;
	[dreg:$0x1] =	wrdreg $0xFFFFFFFF  }
0xa7: {  	s28 =	simm.s32 $_size_execute0_lowered;
	s3 =	sadd.s32 s3, s5;
	[dreg:$0x0] =	wrdreg $0x0  }
0xa8: {  	s5 =	sshll.u32 s28, $0x1;
	[dreg:$0x2] =	wrdreg s3  }
0xa9: {  	[dreg:$0x3] =	wrdreg s5  }
0xaa: {  	[dreg:$0x4] =	wrdreg $0xC0  }
0xab: {  	_ =	task [dreg:s7], $0x5FFFF  }
0xac: {  	[dreg:$0x1] =	wrdreg $0xFFFFFFFF  }
0xad: {  	[dreg:$0x0] =	wrdreg $0x60  }
0xae: {  	[dreg:$0x2] =	wrdreg s24  }
0xaf: {  	[dreg:$0x3] =	wrdreg s2  }
0xb0: {  	[dreg:$0x4] =	wrdreg $0x9  }
0xb1: {  	_ =	task.clear_ibuf [dreg:s7], $0x5FFFF;
	_ =	strace $0x90000046  }
0xb2: {  	s29 =	simm.s32 $0x9;
	_ =	strace $0x80000048  }
0xb3: {  	_ =	swait.ge [sflag:s29], $0x1  }
0xb4: {  	[sflag:s29] =	ssyncadd.s32 $0xFFFFFFFF  }
0xb5: {  	_ =	strace $0x90000048  }
0xb6: {  	_ =	sfence  }
0xb7: {  	s30 =	sld [smem:$0x0];
	_ =	sdelay $0x2  }
0xb8: {  	s31 =	sshll.u32 s1, $0xD;
	s1 =	sshrl.u32 s1, $0x2  }
0xb9: {  	s3 =	sand.u32 $0x4000, s31;
	s1 =	sadd.s32 s1, s30  }
0xba: {  	s0 =	sor.u32 s3, s0;
	s1 =	sshll.u32 s1, $0x11  }
0xbb: {  	s0 =	sor.u32 s1, s0  }
0xbc: {  	s0 =	sadd.s32 $0x8F2B, s0  }
0xbd: {  	[sflag:s0] =	ssyncadd.remote.s32 $0x1  }
0xbe: {  	_ =	sfence.sel $0xFFFF  }
0xbf: {  	[dreg:$0x0] =	wrdreg $0xFFFFFFFF;
	(pc) =	sbr.abs _section_cstart, $3  }
0xc0: {  	[dreg:$0x1] =	wrdreg $0xFFFFFFFF  }
0xc1: {  	_ =	task.clear_ibuf [dreg:s7], $0x2FFFF;
	_ =	strace $0x9FFFFFFF  }
0xc2: {  	(tm) =	ssettm $0x7FFFFFFF  }
0xc3: {  	_ =	shalt  }
tec
execute0_lowered:
.L_overlay_start_1:
0x0: {  	(tag) =	ssettag $0x1  }
0x1: {  	s0 =	rddreg [dreg:$0x0]  }
0x2: {  	s28 =	rddreg [dreg:$0x1];
	s1 =	srdreg.scid;
	s3 =	simm.s32 $0x0  }
0x3: {  	s2 =	stileid.u32;
	s24 =	simm.s32 $0x80;
	s25 =	simm.s32 $0x400  }
0x4: {  	s26 =	simm.s32 $0x1;
	s1 =	sand.u32 $0x1, s1;
	[smem:$0x7FF] =	sst s3  }
0x5: {  	s4 =	sshll.u32 s2, $0x9;
	s30 =	sshll.u32 s2, $0x11;
	s6 =	sadd.s32 $0x4000, s28  }
0x6: {  	s7 =	sadd.s32 $0x8000, s28;
	s8 =	sadd.s32 $0xC000, s28;
	s9 =	sadd.s32 $0x10000, s28  }
0x7: {  	s10 =	sadd.s32 $0x14000, s28;
	s11 =	sadd.s32 $0x18000, s28;
	s12 =	sadd.s32 $0x1C000, s28  }
0x8: {  	s13 =	sadd.s32 $0x1000, s28;
	s14 =	sadd.s32 $0x5000, s28;
	s15 =	sadd.s32 $0x9000, s28  }
0x9: {  	s16 =	sadd.s32 $0xD000, s28;
	s17 =	sadd.s32 $0x11000, s28;
	s18 =	sadd.s32 $0x15000, s28  }
0xa: {  	s19 =	sadd.s32 $0x19000, s28;
	s5 =	ssub.s32 $0x2, s1;
	s0 =	sadd.s32 s4, s0  }
0xb: {  	s20 =	sadd.s32 $0x1D000, s28;
	s29 =	sshrl.u32 s5, $0x1;
	s0 =	sadd.s32 $0x400, s0  }
0xc: {  	_ =	strace $0x80000047;
	s4 =	ssub.s32 s5, s29;
	[dreg:$0x3] =	wrdreg s0  }
0xd: {  	s5 =	sshll.u32 s1, $0x7;
	s1 =	sshll.u32 s1, $0xD;
	s31 =	smax.u32 s4, $0x1  }
0xe: {  	v0 =	vlaneseq.u32;
	s22 =	sor.u32 s30, s1;
	s1 =	simm.s32 $0x0;
	[dreg:$0x4] =	wrdreg s31  }
.LBB2_1:
0xf: {  	[dreg:$0x5] =	wrdreg s1  }
0x10: {  	s0 =	rddreg [dreg:$0x3];
	s31 =	simm.s32 $0x2  }
0x11: {  	[tilespmem:s3], [sflag:$0x2] =	stream.linear.gather [hbm4b:s0+s3], $0x1000, $0x38;
	[tilespmem:$0x1F000] =	vst v63  }
0x12: {  	_ =	swait.ge [sflag:s31], $0x1000  }
0x13: {  	[sflag:s31] =	ssyncset.done $0x0  }
0x14: {  	s29 =	simm.s32 $0x0;
	s30 =	simm.s32 $0x0;
	[sflag:s31] =	ssyncadd.s32 $0xFFFFF000  }
.LBB2_2:
0x15: {  	s0 =	sadd.s32 s30, s5  }
0x16: {  	s0 =	ssub.s32 $0xDF, s0  }
0x17: {  	v1 =	vadd.s32 s0, v0  }
0x18: {  	v2 =	vadd.s32 $0x10, v1;
	_ =	sdelay $0x3  }
0x19: {  	v4 =	vld.idx.msk [tilespmem:v1+s3+$0x0], $0xffff  }
0x1a: {  	v2 =	vld.idx.msk [tilespmem:v2+s3+$0x0], $0xffff  }
0x1b: {  	s31 =	simm.s32 $0x0;
	s1 =	sadd.s32 $0x0, s29;
	v1 =	vadd.s32 $0x40, v1  }
0x1c: {  	s1 =	sand.u32 $0x1FF80, s1;
	s0 =	sand.u32 $0x60, s31;
	v3 =	vadd.s32 $0x10, v1  }
0x1d: {  	s21 =	sor.u32 s0, s1  }
0x1e: {  	s4 =	simm.s32 $0x40;
	s0 =	smul.u32 $0x780, s30;
	s1 =	simm.s32 $0x20;
	[tilespmem:s21+$0x1000] =	vst v4  }
.LBB2_3:
0x1f: {  	p0 =	sne.s32 s4, $0x760;
	[tilespmem:s21+$0x1010] =	vst v2;
	s21 =	smov.u32 s4;
	s4 =	sadd.s32 $0x20, s4  }
0x20: {  	v4 =	vld.idx.msk [tilespmem:v1+s3+$0x0], $0xffff  }
0x21: {  	v2 =	vld.idx.msk [tilespmem:v3+s3+$0x0], $0xffff  }
.Ltmp0:
0x22: {  	(pc) =	sbr.rel @p0 .LBB2_3-.Ltmp0, $4  }
0x23: {  	s23 =	sadd.s32 s1, s29;
	v1 =	vadd.s32 $0x40, v1  }
0x24: {  	s31 =	sand.u32 $0x60, s1;
	s23 =	sand.u32 $0x1FF80, s23;
	s1 =	smov.u32 s21;
	v3 =	vadd.s32 $0x10, v1  }
0x25: {  	s21 =	sor.u32 s31, s23  }
0x26: {  	[tilespmem:s21+$0x1000] =	vst v4  }
0x27: {  	_ =	sdelay $0x2  }
0x28: {  	[tilespmem:s21+$0x1010] =	vst v2  }
0x29: {  	v1 =	vld.idx.msk [tilespmem:v1+s3+$0x0], $0xffff  }
0x2a: {  	s4 =	sadd.s32 s1, s29;
	v2 =	vld.idx.msk [tilespmem:v3+s3+$0x0], $0xffff  }
0x2b: {  	s31 =	sshll.u32 s30, $0x4;
	s23 =	sshll.u32 s30, $0x7;
	s2 =	sand.u32 $0x60, s1  }
0x2c: {  	s4 =	sand.u32 $0x1FF80, s4;
	s21 =	sand.u32 $0x70, s31;
	s23 =	sand.u32 $0xC00, s23  }
0x2d: {  	s1 =	sor.u32 s2, s4;
	s23 =	sor.u32 s21, s23  }
0x2e: {  	s4 =	sor.u32 s22, s23;
	[tilespmem:s1+$0x1000] =	vst v1  }
0x2f: {  	s2 =	sadd.s32 $0x1380, s0;
	s31 =	sadd.s32 s28, s4;
	[tilespmem:s1+$0x1010] =	vst v2  }
0x30: {  	[hbm4b:s31+s24] =	stream.strided.scatter [tilespmem:s2], [sflag:$0x1], $0x400, s25, s24, $0x38;
	[tilespmem:$0x1F000] =	vst v63  }
0x31: {  	s23 =	sadd.s32 $0x1300, s0;
	s21 =	sadd.s32 s4, s6  }
0x32: {  	[hbm4b:s21+s24] =	stream.strided.scatter [tilespmem:s23], [sflag:$0x1], $0x400, s25, s24, $0x38;
	[tilespmem:$0x1F000] =	vst v63  }
0x33: {  	s31 =	sadd.s32 s4, s7;
	s2 =	sadd.s32 $0x1280, s0  }
0x34: {  	[hbm4b:s31+s24] =	stream.strided.scatter [tilespmem:s2], [sflag:$0x1], $0x400, s25, s24, $0x38;
	[tilespmem:$0x1F000] =	vst v63  }
0x35: {  	s21 =	sadd.s32 s4, s8;
	s23 =	sadd.s32 $0x1200, s0  }
0x36: {  	[hbm4b:s21+s24] =	stream.strided.scatter [tilespmem:s23], [sflag:$0x1], $0x400, s25, s24, $0x38;
	[tilespmem:$0x1F000] =	vst v63  }
0x37: {  	s30 =	sadd.s32 $0x1, s30;
	s31 =	sadd.s32 s4, s9;
	s2 =	sadd.s32 $0x1180, s0  }
0x38: {  	[hbm4b:s31+s24] =	stream.strided.scatter [tilespmem:s2], [sflag:$0x1], $0x400, s25, s24, $0x38;
	[tilespmem:$0x1F000] =	vst v63  }
0x39: {  	p0 =	sne.s32 s30, $0x20;
	s21 =	sadd.s32 s4, s10;
	s23 =	sadd.s32 $0x1100, s0  }
0x3a: {  	[hbm4b:s21+s24] =	stream.strided.scatter [tilespmem:s23], [sflag:$0x1], $0x400, s25, s24, $0x38;
	[tilespmem:$0x1F000] =	vst v63  }
.Ltmp1:
0x3b: {  	_ = 	snop;
	(pc) =	sbr.rel @p0 .LBB2_2-.Ltmp1, $4  }
0x3c: {  	s31 =	sadd.s32 s4, s11;
	s2 =	sadd.s32 $0x1080, s0  }
0x3d: {  	[hbm4b:s31+s24] =	stream.strided.scatter [tilespmem:s2], [sflag:$0x1], $0x400, s25, s24, $0x38;
	[tilespmem:$0x1F000] =	vst v63  }
0x3e: {  	s29 =	sadd.s32 $0x780, s29;
	s23 =	sadd.s32 $0x1000, s0;
	s31 =	sadd.s32 s4, s12  }
0x3f: {  	[hbm4b:s31+s24] =	stream.strided.scatter [tilespmem:s23], [sflag:$0x1], $0x400, s25, s24, $0x38;
	[tilespmem:$0x1F000] =	vst v63  }
0x40: {  	s29 =	simm.s32 $0x0;
	s30 =	simm.s32 $0xF000;
	s31 =	simm.s32 $0x0  }
.LBB2_6:
0x41: {  	s0 =	sadd.s32 s31, s5  }
0x42: {  	s0 =	ssub.s32 $0x9F, s0  }
0x43: {  	v1 =	vadd.s32 s0, v0  }
0x44: {  	v2 =	vadd.s32 $0x10, v1;
	_ =	sdelay $0x3  }
0x45: {  	v4 =	vld.idx.msk [tilespmem:v1+s3+$0x0], $0xffff  }
0x46: {  	v2 =	vld.idx.msk [tilespmem:v2+s3+$0x0], $0xffff  }
0x47: {  	s1 =	sadd.s32 $0x0, s30;
	v1 =	vadd.s32 $0x40, v1  }
0x48: {  	s4 =	sand.u32 $0x60, s29;
	s1 =	sand.u32 $0x3FF80, s1;
	s0 =	smul.u32 $0x780, s31;
	v3 =	vadd.s32 $0x10, v1  }
0x49: {  	s23 =	sor.u32 s4, s1  }
0x4a: {  	s21 =	simm.s32 $0x40;
	s4 =	simm.s32 $0x20;
	s1 =	sadd.s32 $0xF000, s0;
	[tilespmem:s23+$0x1000] =	vst v4  }
.LBB2_7:
0x4b: {  	p0 =	sne.s32 s21, $0x760;
	[tilespmem:s23+$0x1010] =	vst v2;
	s23 =	smov.u32 s21;
	s21 =	sadd.s32 $0x20, s21  }
0x4c: {  	v4 =	vld.idx.msk [tilespmem:v1+s3+$0x0], $0xffff  }
0x4d: {  	v2 =	vld.idx.msk [tilespmem:v3+s3+$0x0], $0xffff  }
.Ltmp2:
0x4e: {  	(pc) =	sbr.rel @p0 .LBB2_7-.Ltmp2, $4  }
0x4f: {  	s28 =	sadd.s32 s4, s30;
	v1 =	vadd.s32 $0x40, v1  }
0x50: {  	s2 =	sand.u32 $0x60, s4;
	s28 =	sand.u32 $0x3FF80, s28;
	s4 =	smov.u32 s23;
	v3 =	vadd.s32 $0x10, v1  }
0x51: {  	s23 =	sor.u32 s2, s28  }
0x52: {  	[tilespmem:s23+$0x1000] =	vst v4  }
0x53: {  	_ =	sdelay $0x2  }
0x54: {  	[tilespmem:s23+$0x1010] =	vst v2  }
0x55: {  	v1 =	vld.idx.msk [tilespmem:v1+s3+$0x0], $0xffff  }
0x56: {  	s2 =	sadd.s32 s4, s30;
	v2 =	vld.idx.msk [tilespmem:v3+s3+$0x0], $0xffff  }
0x57: {  	s21 =	sshll.u32 s31, $0x4;
	s23 =	sshll.u32 s31, $0x7;
	s28 =	sand.u32 $0x60, s4  }
0x58: {  	s2 =	sand.u32 $0x3FF80, s2;
	s21 =	sand.u32 $0x70, s21;
	s23 =	sand.u32 $0xC00, s23  }
0x59: {  	s2 =	sor.u32 s28, s2;
	s21 =	sor.u32 s21, s23  }
0x5a: {  	s4 =	sor.u32 s22, s21;
	[tilespmem:s2+$0x1000] =	vst v1  }
0x5b: {  	s28 =	sadd.s32 $0x10380, s0;
	s23 =	sadd.s32 s4, s13;
	[tilespmem:s2+$0x1010] =	vst v2  }
0x5c: {  	[hbm4b:s23+s24] =	stream.strided.scatter [tilespmem:s28], [sflag:$0x1], $0x400, s25, s24, $0x38;
	[tilespmem:$0x1F000] =	vst v63  }
0x5d: {  	s23 =	sadd.s32 s4, s14;
	s28 =	sadd.s32 $0x10300, s0  }
0x5e: {  	[hbm4b:s23+s24] =	stream.strided.scatter [tilespmem:s28], [sflag:$0x1], $0x400, s25, s24, $0x38;
	[tilespmem:$0x1F000] =	vst v63  }
0x5f: {  	s23 =	sadd.s32 s4, s15;
	s28 =	sadd.s32 $0x10280, s0  }
0x60: {  	[hbm4b:s23+s24] =	stream.strided.scatter [tilespmem:s28], [sflag:$0x1], $0x400, s25, s24, $0x38;
	[tilespmem:$0x1F000] =	vst v63  }
0x61: {  	s23 =	sadd.s32 s4, s16;
	s28 =	sadd.s32 $0x10200, s0  }
0x62: {  	[hbm4b:s23+s24] =	stream.strided.scatter [tilespmem:s28], [sflag:$0x1], $0x400, s25, s24, $0x38;
	[tilespmem:$0x1F000] =	vst v63  }
0x63: {  	s31 =	sadd.s32 $0x1, s31;
	s23 =	sadd.s32 s4, s17;
	s28 =	sadd.s32 $0x10180, s0  }
0x64: {  	[hbm4b:s23+s24] =	stream.strided.scatter [tilespmem:s28], [sflag:$0x1], $0x400, s25, s24, $0x38;
	[tilespmem:$0x1F000] =	vst v63  }
0x65: {  	p0 =	sne.s32 s31, $0x20;
	s23 =	sadd.s32 s4, s18;
	s28 =	sadd.s32 $0x10100, s0  }
0x66: {  	[hbm4b:s23+s24] =	stream.strided.scatter [tilespmem:s28], [sflag:$0x1], $0x400, s25, s24, $0x38;
	[tilespmem:$0x1F000] =	vst v63  }
.Ltmp3:
0x67: {  	_ = 	snop;
	(pc) =	sbr.rel @p0 .LBB2_6-.Ltmp3, $4  }
0x68: {  	s21 =	sadd.s32 s4, s19;
	s23 =	sadd.s32 $0x10080, s0  }
0x69: {  	[hbm4b:s21+s24] =	stream.strided.scatter [tilespmem:s23], [sflag:$0x1], $0x400, s25, s24, $0x38;
	[tilespmem:$0x1F000] =	vst v63  }
0x6a: {  	s1 =	sadd.s32 $0x1000, s1;
	s30 =	sadd.s32 $0x780, s30;
	s28 =	sadd.s32 s4, s20  }
0x6b: {  	[hbm4b:s28+s24] =	stream.strided.scatter [tilespmem:s1], [sflag:$0x1], $0x400, s25, s24, $0x38;
	[tilespmem:$0x1F000] =	vst v63  }
0x6c: {  	_ =	swait.ge [sflag:s26], $0x400  }
0x6d: {  	s0 =	simm.s32 $0x1FF;
	[sflag:s26] =	ssyncset.done $0x0  }
.LBB2_10:
0x6e: {  	p0 =	sne.s32 s0, $0x1;
	s0 =	sadd.s32 $0xFFFFFFFF, s0;
	[sflag:s26] =	ssyncadd.s32 $0xFFFFFC00  }
.Ltmp4:
0x6f: {  	(pc) =	sbr.rel @p0 .LBB2_10-.Ltmp4, $3  }
0x70: {  	_ =	sdelay $0x1  }
0x71: {  	_ =	swait.ge [sflag:s26], $0x400  }
0x72: {  	[sflag:s26] =	ssyncset.done $0x0  }
0x73: {  	s1 =	rddreg [dreg:$0x5]  }
0x74: {  	s0 =	rddreg [dreg:$0x4];
	s1 =	sadd.s32 $0x1, s1  }
0x75: {  	p0 =	sne.s32 s1, s0  }
.Ltmp5:
0x76: {  	_ = 	snop;
	(pc) =	sbr.rel @p0 .LBB2_1-.Ltmp5, $3  }
0x77: {  	_ =	sdelay $0x1  }
0x78: {  	[sflag:s26] =	ssyncadd.s32 $0xFFFFFC00  }
0x79: {  	s28 =	rddreg [dreg:$0x1]  }
0x7a: {  	_ =	sfence.sel $0x180000  }
0x7b: {  	[bflag:$0x0] =	sbarrier.arrive $0xFFFF  }
0x7c: {  	_ =	strace $0x90000047  }
0x7d: {  	s0 =	stileid.u32;
	[bflag:$0x2] =	sbarrier.arrive $0xFFFF  }
0x7e: {  	p0 =	sne.s32 s0, $0x0;
	s0 =	rddreg [dreg:$0x2]  }
0x7f: {  	s0 =	sadd.s32 @!p0 $0x100000, s0  }
0x80: {  	[sflag:s0] =	ssyncadd.tile.s32 @!p0 $0x1;
	_ =	shalt  }
.Lfunc_end2:
_tile_overlayer_lowered:
.L_overlay_start_2:
0x81: {  	(tag) =	ssettag $0x2  }
0x82: {  	s0 =	rddreg [dreg:$0x0];
	s2 =	stileid.u32  }
0x83: {  	s1 =	rddreg [dreg:$0x1];
	p0 =	sne.s32 s2, $0x0  }
0x84: {  	s3 =	rddreg [dreg:$0x2];
	[bflag:$0x3] =	sbarrier.arrive $0xFFFF;
	s2 =	simm.s32 @!p0 $0x1C02  }
0x85: {  	[timem:s3], [sflag:s2] =	dma.local @!p0 [hbm:s0], s1  }
0x86: {  	s0 =	simm.s32 @!p0 $0x2  }
0x87: {  	_ =	swait.ge @!p0 [sflag:s0], s1  }
0x88: {  	s1 =	ssub.s32 @!p0 $0x0, s1;
	[sflag:s0] =	ssyncset.done @!p0 $0x0  }
0x89: {  	[sflag:s0] =	ssyncadd.s32 @!p0 s1  }
0x8a: {  	[bflag:$0x3] =	sbarrier.arrive $0xFFFF  }
0x8b: {  	_ =	shalt  }

</sc_bundles>
